<compile_context>
chip_gen: v7x
topology: tpu7x:2x2x1
jax: 0.10.2.dev20260603
libtpu: 0.0.44.dev20260713+nightly
codegen_flags: <defaults>
</compile_context>

<pallas_src>
import functools

import jax
import jax.numpy as jnp
from jax import lax
from jax.experimental import pallas as pl
from jax.experimental.pallas import tpu as pltpu
from jax.experimental.pallas import tpu_sc as plsc

_N = 20000
_K = 200
_T = 0.6
_L = 16
_KPAD = 13 * _L
_OUT_PAD = 1024
_B = 16


def _nms_body(x1_h, y1_h, x2_h, y2_h, ss_h, ord_h, init_h, out_h,
              x1_v, y1_v, x2_v, y2_v, ss_v, ord_v, out_v,
              kx1, ky1, kx2, ky2, kar, nk_ref):
    cid = lax.axis_index("c")
    sid = lax.axis_index("s")
    is0 = jnp.logical_and(cid == 0, sid == 0)

    pltpu.sync_copy(x1_h, x1_v)
    pltpu.sync_copy(y1_h, y1_v)
    pltpu.sync_copy(x2_h, x2_v)
    pltpu.sync_copy(y2_h, y2_v)
    pltpu.sync_copy(ss_h, ss_v)
    pltpu.sync_copy(ord_h, ord_v)
    pltpu.sync_copy(init_h, out_v)

    lanes = lax.iota(jnp.int32, _L)
    sent = jnp.full((_L,), -1e6, jnp.float32)
    zero = jnp.zeros((_L,), jnp.float32)

    def init_chunk(c, carry):
        s = pl.ds(c * _L, _L)
        kx1[s] = sent
        ky1[s] = sent
        kx2[s] = sent
        ky2[s] = sent
        kar[s] = zero
        return carry

    lax.fori_loop(0, _KPAD // _L, init_chunk, 0)
    nk_ref[0] = jnp.int32(0)

    def cand(j, carry):
        p, _ = carry
        nk = nk_ref[0]
        pv = jnp.full((_L,), p, jnp.int32)
        opv = plsc.load_gather(ord_v, [pv])
        cx1 = plsc.load_gather(x1_v, [opv])
        cy1 = plsc.load_gather(y1_v, [opv])
        cx2 = plsc.load_gather(x2_v, [opv])
        cy2 = plsc.load_gather(y2_v, [opv])
        cs = plsc.load_gather(ss_v, [opv])
        car = (cx2 - cx1) * (cy2 - cy1)

        def chunk(c, acc):
            s = pl.ds(c * _L, _L)
            ltx = jnp.maximum(cx1, kx1[s])
            lty = jnp.maximum(cy1, ky1[s])
            rbx = jnp.minimum(cx2, kx2[s])
            rby = jnp.minimum(cy2, ky2[s])
            w = jnp.maximum(rbx - ltx, 0.0)
            h = jnp.maximum(rby - lty, 0.0)
            inter = w * h
            union = car + kar[s] - inter + 1e-9
            return jnp.maximum(acc, inter / union)

        nchunks = (nk + _L - 1) // _L
        miou = lax.fori_loop(0, nchunks, chunk,
                             jnp.zeros((_L,), jnp.float32))
        keep = jnp.logical_and(jnp.max(miou) <= _T, nk < _K)

        keep_v = jnp.full((_L,), keep)
        nkv = jnp.full((_L,), nk, jnp.int32)
        m0 = jnp.logical_and(lanes == 0, keep_v)
        plsc.store_scatter(kx1, [nkv], cx1, mask=m0)
        plsc.store_scatter(ky1, [nkv], cy1, mask=m0)
        plsc.store_scatter(kx2, [nkv], cx2, mask=m0)
        plsc.store_scatter(ky2, [nkv], cy2, mask=m0)
        plsc.store_scatter(kar, [nkv], car, mask=m0)
        vals = jnp.where(lanes == 0, cx1,
                         jnp.where(lanes == 1, cy1,
                                   jnp.where(lanes == 2, cx2,
                                             jnp.where(lanes == 3,
                                                       cy2, cs))))
        plsc.store_scatter(out_v, [nk * 5 + lanes], vals,
                           mask=jnp.logical_and(lanes < 5, keep_v))

        nk_ref[0] = jnp.where(keep, nk + 1, nk)
        return p + 1, 0

    def blk(b, carry):
        @pl.when(nk_ref[0] < _K)
        def _():
            lax.fori_loop(0, _B, cand, (b * _B, 0))
        return carry

    lax.fori_loop(0, _N // _B, blk, 0)

    @pl.when(is0)
    def _():
        pltpu.sync_copy(out_v, out_h)


_nms = pl.kernel(
    _nms_body,
    out_type=jax.ShapeDtypeStruct((_OUT_PAD,), jnp.float32),
    mesh=plsc.VectorSubcoreMesh(core_axis_name="c", subcore_axis_name="s",
                                num_cores=2, num_subcores=16),
    compiler_params=pltpu.CompilerParams(needs_layout_passes=False),
    scratch_types=[
        pltpu.VMEM((_N,), jnp.float32),
        pltpu.VMEM((_N,), jnp.float32),
        pltpu.VMEM((_N,), jnp.float32),
        pltpu.VMEM((_N,), jnp.float32),
        pltpu.VMEM((_N,), jnp.float32),
        pltpu.VMEM((_N,), jnp.int32),
        pltpu.VMEM((_OUT_PAD,), jnp.float32),
        pltpu.VMEM((_KPAD,), jnp.float32),
        pltpu.VMEM((_KPAD,), jnp.float32),
        pltpu.VMEM((_KPAD,), jnp.float32),
        pltpu.VMEM((_KPAD,), jnp.float32),
        pltpu.VMEM((_KPAD,), jnp.float32),
        pltpu.SMEM((1,), jnp.int32),
    ],
)


def kernel(boxes, scores):
    order = jnp.argsort(-scores, stable=True).astype(jnp.int32)
    pad_row = jnp.concatenate(
        [boxes[0], jnp.full((1,), -1.0, jnp.float32)])
    init = jnp.resize(pad_row, (_OUT_PAD,))
    out = _nms(boxes[:, 0], boxes[:, 1], boxes[:, 2], boxes[:, 3],
               scores, order, init)
    return out[: _K * 5].reshape(_K, 5)

# --- scband reference (transcript-rebuilt; emitter-appended) ---
"""Pipeline reference for scband-ppyoloehead-90056874262891 (READ-ONLY COPY).

The authoritative reference and input builder live on the scoring server;
editing this copy changes nothing except your own understanding.
"""

import jax, jax.numpy as jnp
import numpy as np

N = 20000
K = 200  # keep_top_k from PPYOLOE nms_cfg
IOU_THRESH = 0.6  # nms_threshold from PPYOLOE nms_cfg


def setup_inputs(seed: int = 0) -> dict:
    key = jax.random.key(seed)
    k1, k2, k3 = jax.random.split(key, 3)
    # Build well-formed xyxy boxes on a 640x640 canvas (PPYOLOE eval size)
    centers = jax.random.uniform(k1, (N, 2), dtype=jnp.float32) * 640.0
    sizes = jax.random.uniform(k2, (N, 2), dtype=jnp.float32) * 120.0 + 4.0
    boxes = jnp.concatenate([centers - sizes / 2.0, centers + sizes / 2.0], axis=-1)
    scores = jax.random.uniform(k3, (N,), dtype=jnp.float32)
    return {"boxes": boxes, "scores": scores}


def _iou_one_to_many(box, boxes):
    # box: [4] xyxy, boxes: [N, 4] xyxy -> iou: [N]
    lt = jnp.maximum(box[:2], boxes[:, :2])
    rb = jnp.minimum(box[2:], boxes[:, 2:])
    wh = jnp.maximum(rb - lt, 0.0)
    inter = wh[:, 0] * wh[:, 1]
    area1 = (box[2] - box[0]) * (box[3] - box[1])
    area2 = (boxes[:, 2] - boxes[:, 0]) * (boxes[:, 3] - boxes[:, 1])
    union = area1 + area2 - inter + 1e-9
    return inter / union


def reference(boxes, scores):
    """Greedy hard NMS (PPYOLOE post-process style): iteratively select the
    highest-scoring box and suppress overlapping boxes (IoU > thresh).
    Returns [K, 5] = (x1, y1, x2, y2, score) for the kept detections."""

    def step(active_scores, _):
        idx = jnp.argmax(active_scores)
        sel_score = jnp.take(active_scores, idx)
        sel_box = jnp.take(boxes, idx, axis=0)
        ious = _iou_one_to_many(sel_box, boxes)
        suppress = ious > IOU_THRESH
        new_scores = jnp.where(suppress, -1.0, active_scores)
        new_scores = new_scores.at[idx].set(-1.0)
        return new_scores, jnp.concatenate([sel_box, sel_score[None]], axis=0)

    _, dets = jax.lax.scan(step, scores, None, length=K)
    return dets  # [K, 5]

if __name__ == "__main__":
    import jax
    _d = setup_inputs()
    print(jax.jit(kernel)(*tuple(_d.values())))

</pallas_src>

<mosaic_0001>
#map = affine_map<(d0, d1) -> (0)>
module attributes {stable_mosaic.version = 14 : i64} {
  func.func @_nms_body(%arg0: i32, %arg1: i32, %arg2: memref<20000xf32, #tpu.memory_space<hbm>>, %arg3: memref<20000xf32, #tpu.memory_space<hbm>>, %arg4: memref<20000xf32, #tpu.memory_space<hbm>>, %arg5: memref<20000xf32, #tpu.memory_space<hbm>>, %arg6: memref<20000xf32, #tpu.memory_space<hbm>>, %arg7: memref<20000xi32, #tpu.memory_space<hbm>>, %arg8: memref<1024xf32, #tpu.memory_space<hbm>>, %arg9: memref<1024xf32, #tpu.memory_space<hbm>>, %arg10: memref<20000xf32, #tpu.memory_space<vmem>>, %arg11: memref<20000xf32, #tpu.memory_space<vmem>>, %arg12: memref<20000xf32, #tpu.memory_space<vmem>>, %arg13: memref<20000xf32, #tpu.memory_space<vmem>>, %arg14: memref<20000xf32, #tpu.memory_space<vmem>>, %arg15: memref<20000xi32, #tpu.memory_space<vmem>>, %arg16: memref<1024xf32, #tpu.memory_space<vmem>>, %arg17: memref<208xf32, #tpu.memory_space<vmem>>, %arg18: memref<208xf32, #tpu.memory_space<vmem>>, %arg19: memref<208xf32, #tpu.memory_space<vmem>>, %arg20: memref<208xf32, #tpu.memory_space<vmem>>, %arg21: memref<208xf32, #tpu.memory_space<vmem>>, %arg22: memref<1xi32, #tpu.memory_space<smem>>) attributes {dimension_semantics = [#tpu.dimension_semantics<core_parallel>, #tpu.dimension_semantics<subcore_parallel>], iteration_bounds = array<i64: 2, 16>, scalar_prefetch = 0 : i64, scratch_operands = 13 : i64, tpu.core_type = #tpu.core_type<sc_vector_subcore>, window_params = [{transform_indices = #map}, {transform_indices = #map}, {transform_indices = #map}, {transform_indices = #map}, {transform_indices = #map}, {transform_indices = #map}, {transform_indices = #map}, {transform_indices = #map}]} {
    %eq3A = arith.constant 0 : i32
    %eq3A_0 = arith.cmpi eq, %arg0, %eq3A : i32
    %eq3A_1 = arith.constant 0 : i32
    %eq3A_2 = arith.cmpi eq, %arg1, %eq3A_1 : i32
    %and3A = arith.andi %eq3A_0, %eq3A_2 : i1
    "tpu.region"() ({
      %run_scoped3A = tpu.sem_alloc : memref<!tpu.dma_semaphore, #tpu.memory_space<semaphore_mem>>
      tpu.enqueue_dma source(%arg2 : memref<20000xf32, #tpu.memory_space<hbm>>) target(%arg10 : memref<20000xf32, #tpu.memory_space<vmem>>) target_semaphore(%run_scoped3A : memref<!tpu.dma_semaphore, #tpu.memory_space<semaphore_mem>>)
      tpu.wait_dma2 semaphore(%run_scoped3A : memref<!tpu.dma_semaphore, #tpu.memory_space<semaphore_mem>>) src(%arg2 : memref<20000xf32, #tpu.memory_space<hbm>>) dst(%arg10 : memref<20000xf32, #tpu.memory_space<vmem>>)
      tpu.yield
    }) : () -> ()
    "tpu.region"() ({
      %run_scoped3A = tpu.sem_alloc : memref<!tpu.dma_semaphore, #tpu.memory_space<semaphore_mem>>
      tpu.enqueue_dma source(%arg3 : memref<20000xf32, #tpu.memory_space<hbm>>) target(%arg11 : memref<20000xf32, #tpu.memory_space<vmem>>) target_semaphore(%run_scoped3A : memref<!tpu.dma_semaphore, #tpu.memory_space<semaphore_mem>>)
      tpu.wait_dma2 semaphore(%run_scoped3A : memref<!tpu.dma_semaphore, #tpu.memory_space<semaphore_mem>>) src(%arg3 : memref<20000xf32, #tpu.memory_space<hbm>>) dst(%arg11 : memref<20000xf32, #tpu.memory_space<vmem>>)
      tpu.yield
    }) : () -> ()
    "tpu.region"() ({
      %run_scoped3A = tpu.sem_alloc : memref<!tpu.dma_semaphore, #tpu.memory_space<semaphore_mem>>
      tpu.enqueue_dma source(%arg4 : memref<20000xf32, #tpu.memory_space<hbm>>) target(%arg12 : memref<20000xf32, #tpu.memory_space<vmem>>) target_semaphore(%run_scoped3A : memref<!tpu.dma_semaphore, #tpu.memory_space<semaphore_mem>>)
      tpu.wait_dma2 semaphore(%run_scoped3A : memref<!tpu.dma_semaphore, #tpu.memory_space<semaphore_mem>>) src(%arg4 : memref<20000xf32, #tpu.memory_space<hbm>>) dst(%arg12 : memref<20000xf32, #tpu.memory_space<vmem>>)
      tpu.yield
    }) : () -> ()
    "tpu.region"() ({
      %run_scoped3A = tpu.sem_alloc : memref<!tpu.dma_semaphore, #tpu.memory_space<semaphore_mem>>
      tpu.enqueue_dma source(%arg5 : memref<20000xf32, #tpu.memory_space<hbm>>) target(%arg13 : memref<20000xf32, #tpu.memory_space<vmem>>) target_semaphore(%run_scoped3A : memref<!tpu.dma_semaphore, #tpu.memory_space<semaphore_mem>>)
      tpu.wait_dma2 semaphore(%run_scoped3A : memref<!tpu.dma_semaphore, #tpu.memory_space<semaphore_mem>>) src(%arg5 : memref<20000xf32, #tpu.memory_space<hbm>>) dst(%arg13 : memref<20000xf32, #tpu.memory_space<vmem>>)
      tpu.yield
    }) : () -> ()
    "tpu.region"() ({
      %run_scoped3A = tpu.sem_alloc : memref<!tpu.dma_semaphore, #tpu.memory_space<semaphore_mem>>
      tpu.enqueue_dma source(%arg6 : memref<20000xf32, #tpu.memory_space<hbm>>) target(%arg14 : memref<20000xf32, #tpu.memory_space<vmem>>) target_semaphore(%run_scoped3A : memref<!tpu.dma_semaphore, #tpu.memory_space<semaphore_mem>>)
      tpu.wait_dma2 semaphore(%run_scoped3A : memref<!tpu.dma_semaphore, #tpu.memory_space<semaphore_mem>>) src(%arg6 : memref<20000xf32, #tpu.memory_space<hbm>>) dst(%arg14 : memref<20000xf32, #tpu.memory_space<vmem>>)
      tpu.yield
    }) : () -> ()
    "tpu.region"() ({
      %run_scoped3A = tpu.sem_alloc : memref<!tpu.dma_semaphore, #tpu.memory_space<semaphore_mem>>
      tpu.enqueue_dma source(%arg7 : memref<20000xi32, #tpu.memory_space<hbm>>) target(%arg15 : memref<20000xi32, #tpu.memory_space<vmem>>) target_semaphore(%run_scoped3A : memref<!tpu.dma_semaphore, #tpu.memory_space<semaphore_mem>>)
      tpu.wait_dma2 semaphore(%run_scoped3A : memref<!tpu.dma_semaphore, #tpu.memory_space<semaphore_mem>>) src(%arg7 : memref<20000xi32, #tpu.memory_space<hbm>>) dst(%arg15 : memref<20000xi32, #tpu.memory_space<vmem>>)
      tpu.yield
    }) : () -> ()
    "tpu.region"() ({
      %run_scoped3A = tpu.sem_alloc : memref<!tpu.dma_semaphore, #tpu.memory_space<semaphore_mem>>
      tpu.enqueue_dma source(%arg8 : memref<1024xf32, #tpu.memory_space<hbm>>) target(%arg16 : memref<1024xf32, #tpu.memory_space<vmem>>) target_semaphore(%run_scoped3A : memref<!tpu.dma_semaphore, #tpu.memory_space<semaphore_mem>>)
      tpu.wait_dma2 semaphore(%run_scoped3A : memref<!tpu.dma_semaphore, #tpu.memory_space<semaphore_mem>>) src(%arg8 : memref<1024xf32, #tpu.memory_space<hbm>>) dst(%arg16 : memref<1024xf32, #tpu.memory_space<vmem>>)
      tpu.yield
    }) : () -> ()
    %iota3A = tpu.iota {dimensions = array<i32: 0>} : vector<16xi32>
    %broadcast_in_dim3A = arith.constant -1.000000e+06 : f32
    %broadcast_in_dim3A_3 = vector.broadcast %broadcast_in_dim3A : f32 to vector<16xf32>
    %broadcast_in_dim3A_4 = arith.constant 0.000000e+00 : f32
    %broadcast_in_dim3A_5 = vector.broadcast %broadcast_in_dim3A_4 : f32 to vector<16xf32>
    %scan3A = arith.constant 0 : i32
    %scan3A_6 = arith.constant 0 : i32
    %scan3A_7 = arith.constant 13 : i32
    %scan3A_8 = arith.addi %scan3A_6, %scan3A_7 : i32
    %scan3A_9 = arith.constant 1 : i32
    scf.for %scan3A_21 = %scan3A_6 to %scan3A_8 step %scan3A_9  : i32 {
      %mul3A = arith.constant 16 : i32
      %mul3A_22 = arith.muli %scan3A_21, %mul3A : i32
      %swap3A_23 = arith.index_cast %mul3A_22 : i32 to index
      %swap3A_24 = tpu.vector_load %arg17[%swap3A_23] {strides = array<i32>} : memref<208xf32, #tpu.memory_space<vmem>>, vector<16xf32>,
      tpu.vector_store %arg17[%swap3A_23], %broadcast_in_dim3A_3 {strides = array<i32>} : memref<208xf32, #tpu.memory_space<vmem>>, vector<16xf32>,
      %swap3A_25 = arith.index_cast %mul3A_22 : i32 to index
      %swap3A_26 = tpu.vector_load %arg18[%swap3A_25] {strides = array<i32>} : memref<208xf32, #tpu.memory_space<vmem>>, vector<16xf32>,
      tpu.vector_store %arg18[%swap3A_25], %broadcast_in_dim3A_3 {strides = array<i32>} : memref<208xf32, #tpu.memory_space<vmem>>, vector<16xf32>,
      %swap3A_27 = arith.index_cast %mul3A_22 : i32 to index
      %swap3A_28 = tpu.vector_load %arg19[%swap3A_27] {strides = array<i32>} : memref<208xf32, #tpu.memory_space<vmem>>, vector<16xf32>,
      tpu.vector_store %arg19[%swap3A_27], %broadcast_in_dim3A_3 {strides = array<i32>} : memref<208xf32, #tpu.memory_space<vmem>>, vector<16xf32>,
      %swap3A_29 = arith.index_cast %mul3A_22 : i32 to index
      %swap3A_30 = tpu.vector_load %arg20[%swap3A_29] {strides = array<i32>} : memref<208xf32, #tpu.memory_space<vmem>>, vector<16xf32>,
      tpu.vector_store %arg20[%swap3A_29], %broadcast_in_dim3A_3 {strides = array<i32>} : memref<208xf32, #tpu.memory_space<vmem>>, vector<16xf32>,
      %swap3A_31 = arith.index_cast %mul3A_22 : i32 to index
      %swap3A_32 = tpu.vector_load %arg21[%swap3A_31] {strides = array<i32>} : memref<208xf32, #tpu.memory_space<vmem>>, vector<16xf32>,
      tpu.vector_store %arg21[%swap3A_31], %broadcast_in_dim3A_5 {strides = array<i32>} : memref<208xf32, #tpu.memory_space<vmem>>, vector<16xf32>,
    }
    %scan3A_10 = arith.constant 13 : i32
    %swap3A = arith.constant 0 : i32
    %swap3A_11 = arith.constant 0 : i32
    %swap3A_12 = arith.index_cast %swap3A_11 : i32 to index
    %swap3A_13 = memref.load %arg22[%swap3A_12] : memref<1xi32, #tpu.memory_space<smem>>
    memref.store %swap3A, %arg22[%swap3A_12] : memref<1xi32, #tpu.memory_space<smem>>
    %scan3A_14 = arith.constant 0 : i32
    %scan3A_15 = arith.constant 0 : i32
    %scan3A_16 = arith.constant 1250 : i32
    %scan3A_17 = arith.addi %scan3A_15, %scan3A_16 : i32
    %scan3A_18 = arith.constant 1 : i32
    scf.for %scan3A_21 = %scan3A_15 to %scan3A_17 step %scan3A_18  : i32 {
      %get3A = arith.constant 0 : i32
      %get3A_22 = arith.index_cast %get3A : i32 to index
      %get3A_23 = memref.load %arg22[%get3A_22] : memref<1xi32, #tpu.memory_space<smem>>
      %lt3A = arith.constant 200 : i32
      %lt3A_24 = arith.cmpi slt, %get3A_23, %lt3A : i32
      %convert_element_type3A_25 = arith.extui %lt3A_24 : i1 to i32
      %cond3A_26 = arith.constant 0 : i32
      %cond3A_27 = arith.cmpi ne, %convert_element_type3A_25, %cond3A_26 : i32
      scf.if %cond3A_27 {
        %mul3A = arith.constant 16 : i32
        %mul3A_28 = arith.muli %scan3A_21, %mul3A : i32
        %scan3A_29 = arith.constant 0 : i32
        %scan3A_30 = arith.constant 0 : i32
        %scan3A_31 = arith.constant 16 : i32
        %scan3A_32 = arith.addi %scan3A_30, %scan3A_31 : i32
        %scan3A_33 = arith.constant 1 : i32
        %scan3A_34:2 = scf.for %scan3A_36 = %scan3A_30 to %scan3A_32 step %scan3A_33 iter_args(%scan3A_37 = %mul3A_28, %scan3A_38 = %scan3A_29) -> (i32, i32)  : i32 {
          %get3A_39 = arith.constant 0 : i32
          %get3A_40 = arith.index_cast %get3A_39 : i32 to index
          %get3A_41 = memref.load %arg22[%get3A_40] : memref<1xi32, #tpu.memory_space<smem>>
          %broadcast_in_dim3A_42 = vector.broadcast %scan3A_37 : i32 to vector<16xi32>
          %gather3A = tpu.vector_load_idx %arg15[%broadcast_in_dim3A_42] : memref<20000xi32, #tpu.memory_space<vmem>>[vector<16xi32>], vector<16xi32>,
          %gather3A_43 = tpu.vector_load_idx %arg10[%gather3A] : memref<20000xf32, #tpu.memory_space<vmem>>[vector<16xi32>], vector<16xf32>,
          %gather3A_44 = tpu.vector_load_idx %arg11[%gather3A] : memref<20000xf32, #tpu.memory_space<vmem>>[vector<16xi32>], vector<16xf32>,
          %gather3A_45 = tpu.vector_load_idx %arg12[%gather3A] : memref<20000xf32, #tpu.memory_space<vmem>>[vector<16xi32>], vector<16xf32>,
          %gather3A_46 = tpu.vector_load_idx %arg13[%gather3A] : memref<20000xf32, #tpu.memory_space<vmem>>[vector<16xi32>], vector<16xf32>,
          %gather3A_47 = tpu.vector_load_idx %arg14[%gather3A] : memref<20000xf32, #tpu.memory_space<vmem>>[vector<16xi32>], vector<16xf32>,
          %sub3A = arith.subf %gather3A_45, %gather3A_43 : vector<16xf32>
          %sub3A_48 = arith.subf %gather3A_46, %gather3A_44 : vector<16xf32>
          %mul3A_49 = arith.mulf %sub3A, %sub3A_48 : vector<16xf32>
          %add3A = arith.constant 16 : i32
          %add3A_50 = arith.addi %get3A_41, %add3A : i32
          %sub3A_51 = arith.constant 1 : i32
          %sub3A_52 = arith.subi %add3A_50, %sub3A_51 : i32
          %jit3A = arith.constant 16 : i32
          %div3A = arith.divsi %sub3A_52, %jit3A : i32
          %sign3A = arith.constant 0 : i32
          %sign3A_53 = arith.cmpi sgt, %sub3A_52, %sign3A : i32
          %sign3A_54 = arith.extui %sign3A_53 : i1 to i32
          %sign3A_55 = arith.constant 0 : i32
          %sign3A_56 = arith.cmpi slt, %sub3A_52, %sign3A_55 : i32
          %sign3A_57 = arith.extui %sign3A_56 : i1 to i32
          %sign3A_58 = arith.subi %sign3A_54, %sign3A_57 : i32
          %sign3A_59 = arith.constant 0 : i32
          %sign3A_60 = arith.cmpi sgt, %jit3A, %sign3A_59 : i32
          %sign3A_61 = arith.extui %sign3A_60 : i1 to i32
          %sign3A_62 = arith.constant 0 : i32
          %sign3A_63 = arith.cmpi slt, %jit3A, %sign3A_62 : i32
          %sign3A_64 = arith.extui %sign3A_63 : i1 to i32
          %sign3A_65 = arith.subi %sign3A_61, %sign3A_64 : i32
          %ne3A = arith.cmpi ne, %sign3A_58, %sign3A_65 : i32
          %rem3A = arith.remsi %sub3A_52, %jit3A : i32
          %ne3A_66 = arith.constant 0 : i32
          %ne3A_67 = arith.cmpi ne, %rem3A, %ne3A_66 : i32
          %and3A_68 = arith.andi %ne3A, %ne3A_67 : i1
          %sub3A_69 = arith.constant 1 : i32
          %sub3A_70 = arith.subi %div3A, %sub3A_69 : i32
          %select_n3A = arith.select %and3A_68, %sub3A_70, %div3A : i32
          %broadcast_in_dim3A_71 = arith.constant 0.000000e+00 : f32
          %broadcast_in_dim3A_72 = vector.broadcast %broadcast_in_dim3A_71 : f32 to vector<16xf32>
          %while3A = arith.constant 0 : i32
          %while3A_73 = arith.subi %select_n3A, %while3A : i32
          %while3A_74 = arith.addi %while3A, %while3A_73 : i32
          %while3A_75 = arith.constant 1 : i32
          %while3A_76 = arith.divsi %while3A_73, %while3A_75 : i32
          %while3A_77 = arith.muli %while3A_76, %while3A_75 : i32
          %while3A_78 = arith.addi %while3A, %while3A_77 : i32
          %while3A_79 = arith.constant 1 : i32
          %while3A_80 = scf.for %while3A_129 = %while3A to %while3A_78 step %while3A_79 iter_args(%while3A_130 = %broadcast_in_dim3A_72) -> (vector<16xf32>)  : i32 {
            %mul3A_131 = arith.constant 16 : i32
            %mul3A_132 = arith.muli %while3A_129, %mul3A_131 : i32
            %get3A_133 = arith.index_cast %mul3A_132 : i32 to index
            %get3A_134 = tpu.vector_load %arg17[%get3A_133] {strides = array<i32>} : memref<208xf32, #tpu.memory_space<vmem>>, vector<16xf32>,
            %max3A = arith.maximumf %gather3A_43, %get3A_134 : vector<16xf32>
            %get3A_135 = arith.index_cast %mul3A_132 : i32 to index
            %get3A_136 = tpu.vector_load %arg18[%get3A_135] {strides = array<i32>} : memref<208xf32, #tpu.memory_space<vmem>>, vector<16xf32>,
            %max3A_137 = arith.maximumf %gather3A_44, %get3A_136 : vector<16xf32>
            %get3A_138 = arith.index_cast %mul3A_132 : i32 to index
            %get3A_139 = tpu.vector_load %arg19[%get3A_138] {strides = array<i32>} : memref<208xf32, #tpu.memory_space<vmem>>, vector<16xf32>,
            %min3A = arith.minimumf %gather3A_45, %get3A_139 : vector<16xf32>
            %get3A_140 = arith.index_cast %mul3A_132 : i32 to index
            %get3A_141 = tpu.vector_load %arg20[%get3A_140] {strides = array<i32>} : memref<208xf32, #tpu.memory_space<vmem>>, vector<16xf32>,
            %min3A_142 = arith.minimumf %gather3A_46, %get3A_141 : vector<16xf32>
            %sub3A_143 = arith.subf %min3A, %max3A : vector<16xf32>
            %max3A_144 = arith.constant 0.000000e+00 : f32
            %max3A_145 = vector.broadcast %max3A_144 : f32 to vector<16xf32>
            %max3A_146 = arith.maximumf %sub3A_143, %max3A_145 : vector<16xf32>
            %sub3A_147 = arith.subf %min3A_142, %max3A_137 : vector<16xf32>
            %max3A_148 = arith.constant 0.000000e+00 : f32
            %max3A_149 = vector.broadcast %max3A_148 : f32 to vector<16xf32>
            %max3A_150 = arith.maximumf %sub3A_147, %max3A_149 : vector<16xf32>
            %mul3A_151 = arith.mulf %max3A_146, %max3A_150 : vector<16xf32>
            %get3A_152 = arith.index_cast %mul3A_132 : i32 to index
            %get3A_153 = tpu.vector_load %arg21[%get3A_152] {strides = array<i32>} : memref<208xf32, #tpu.memory_space<vmem>>, vector<16xf32>,
            %add3A_154 = arith.addf %mul3A_49, %get3A_153 : vector<16xf32>
            %sub3A_155 = arith.subf %add3A_154, %mul3A_151 : vector<16xf32>
            %add3A_156 = arith.constant 9.99999971E-10 : f32
            %add3A_157 = vector.broadcast %add3A_156 : f32 to vector<16xf32>
            %add3A_158 = arith.addf %sub3A_155, %add3A_157 : vector<16xf32>
            %div3A_159 = arith.divf %mul3A_151, %add3A_158 : vector<16xf32>
            %max3A_160 = arith.maximumf %while3A_130, %div3A_159 : vector<16xf32>
            scf.yield %max3A_160 : vector<16xf32>
          }
          %while3A_81 = arith.constant 1 : i32
          %while3A_82 = scf.for %while3A_129 = %while3A_78 to %while3A_74 step %while3A_81 iter_args(%while3A_130 = %while3A_80) -> (vector<16xf32>)  : i32 {
            %mul3A_131 = arith.constant 16 : i32
            %mul3A_132 = arith.muli %while3A_129, %mul3A_131 : i32
            %get3A_133 = arith.index_cast %mul3A_132 : i32 to index
            %get3A_134 = tpu.vector_load %arg17[%get3A_133] {strides = array<i32>} : memref<208xf32, #tpu.memory_space<vmem>>, vector<16xf32>,
            %max3A = arith.maximumf %gather3A_43, %get3A_134 : vector<16xf32>
            %get3A_135 = arith.index_cast %mul3A_132 : i32 to index
            %get3A_136 = tpu.vector_load %arg18[%get3A_135] {strides = array<i32>} : memref<208xf32, #tpu.memory_space<vmem>>, vector<16xf32>,
            %max3A_137 = arith.maximumf %gather3A_44, %get3A_136 : vector<16xf32>
            %get3A_138 = arith.index_cast %mul3A_132 : i32 to index
            %get3A_139 = tpu.vector_load %arg19[%get3A_138] {strides = array<i32>} : memref<208xf32, #tpu.memory_space<vmem>>, vector<16xf32>,
            %min3A = arith.minimumf %gather3A_45, %get3A_139 : vector<16xf32>
            %get3A_140 = arith.index_cast %mul3A_132 : i32 to index
            %get3A_141 = tpu.vector_load %arg20[%get3A_140] {strides = array<i32>} : memref<208xf32, #tpu.memory_space<vmem>>, vector<16xf32>,
            %min3A_142 = arith.minimumf %gather3A_46, %get3A_141 : vector<16xf32>
            %sub3A_143 = arith.subf %min3A, %max3A : vector<16xf32>
            %max3A_144 = arith.constant 0.000000e+00 : f32
            %max3A_145 = vector.broadcast %max3A_144 : f32 to vector<16xf32>
            %max3A_146 = arith.maximumf %sub3A_143, %max3A_145 : vector<16xf32>
            %sub3A_147 = arith.subf %min3A_142, %max3A_137 : vector<16xf32>
            %max3A_148 = arith.constant 0.000000e+00 : f32
            %max3A_149 = vector.broadcast %max3A_148 : f32 to vector<16xf32>
            %max3A_150 = arith.maximumf %sub3A_147, %max3A_149 : vector<16xf32>
            %mul3A_151 = arith.mulf %max3A_146, %max3A_150 : vector<16xf32>
            %get3A_152 = arith.index_cast %mul3A_132 : i32 to index
            %get3A_153 = tpu.vector_load %arg21[%get3A_152] {strides = array<i32>} : memref<208xf32, #tpu.memory_space<vmem>>, vector<16xf32>,
            %add3A_154 = arith.addf %mul3A_49, %get3A_153 : vector<16xf32>
            %sub3A_155 = arith.subf %add3A_154, %mul3A_151 : vector<16xf32>
            %add3A_156 = arith.constant 9.99999971E-10 : f32
            %add3A_157 = vector.broadcast %add3A_156 : f32 to vector<16xf32>
            %add3A_158 = arith.addf %sub3A_155, %add3A_157 : vector<16xf32>
            %div3A_159 = arith.divf %mul3A_151, %add3A_158 : vector<16xf32>
            %max3A_160 = arith.maximumf %while3A_130, %div3A_159 : vector<16xf32>
            scf.yield %max3A_160 : vector<16xf32>
          }
          %reduce_max3A = arith.constant true
          %reduce_max3A_83 = vector.broadcast %reduce_max3A : i1 to vector<16xi1>
          %reduce_max3A_84 = tpu.scan <max>, %while3A_82 masked %reduce_max3A_83 : vector<16xf32>, vector<16xi1> -> vector<16xf32>
          %reduce_max3A_85 = vector.extract %reduce_max3A_84[15] : f32 from vector<16xf32>
          %le3A = arith.constant 6.000000e-01 : f32
          %le3A_86 = arith.cmpf ole, %reduce_max3A_85, %le3A : f32
          %lt3A_87 = arith.constant 200 : i32
          %lt3A_88 = arith.cmpi slt, %get3A_41, %lt3A_87 : i32
          %and3A_89 = arith.andi %le3A_86, %lt3A_88 : i1
          %broadcast_in_dim3A_90 = vector.broadcast %and3A_89 : i1 to vector<16xi1>
          %broadcast_in_dim3A_91 = vector.broadcast %get3A_41 : i32 to vector<16xi32>
          %eq3A_92 = arith.constant 0 : i32
          %eq3A_93 = vector.broadcast %eq3A_92 : i32 to vector<16xi32>
          %eq3A_94 = arith.cmpi eq, %iota3A, %eq3A_93 : vector<16xi32>
          %and3A_95 = arith.andi %eq3A_94, %broadcast_in_dim3A_90 : vector<16xi1>
          tpu.vector_store_idx %arg17[%broadcast_in_dim3A_91], %gather3A_43 masked %and3A_95 : memref<208xf32, #tpu.memory_space<vmem>>[vector<16xi32>], vector<16xf32>, vector<16xi1>
          tpu.vector_store_idx %arg18[%broadcast_in_dim3A_91], %gather3A_44 masked %and3A_95 : memref<208xf32, #tpu.memory_space<vmem>>[vector<16xi32>], vector<16xf32>, vector<16xi1>
          tpu.vector_store_idx %arg19[%broadcast_in_dim3A_91], %gather3A_45 masked %and3A_95 : memref<208xf32, #tpu.memory_space<vmem>>[vector<16xi32>], vector<16xf32>, vector<16xi1>
          tpu.vector_store_idx %arg20[%broadcast_in_dim3A_91], %gather3A_46 masked %and3A_95 : memref<208xf32, #tpu.memory_space<vmem>>[vector<16xi32>], vector<16xf32>, vector<16xi1>
          tpu.vector_store_idx %arg21[%broadcast_in_dim3A_91], %mul3A_49 masked %and3A_95 : memref<208xf32, #tpu.memory_space<vmem>>[vector<16xi32>], vector<16xf32>, vector<16xi1>
          %eq3A_96 = arith.constant 0 : i32
          %eq3A_97 = vector.broadcast %eq3A_96 : i32 to vector<16xi32>
          %eq3A_98 = arith.cmpi eq, %iota3A, %eq3A_97 : vector<16xi32>
          %eq3A_99 = arith.constant 1 : i32
          %eq3A_100 = vector.broadcast %eq3A_99 : i32 to vector<16xi32>
          %eq3A_101 = arith.cmpi eq, %iota3A, %eq3A_100 : vector<16xi32>
          %eq3A_102 = arith.constant 2 : i32
          %eq3A_103 = vector.broadcast %eq3A_102 : i32 to vector<16xi32>
          %eq3A_104 = arith.cmpi eq, %iota3A, %eq3A_103 : vector<16xi32>
          %eq3A_105 = arith.constant 3 : i32
          %eq3A_106 = vector.broadcast %eq3A_105 : i32 to vector<16xi32>
          %eq3A_107 = arith.cmpi eq, %iota3A, %eq3A_106 : vector<16xi32>
          %select_n3A_108 = arith.select %eq3A_107, %gather3A_46, %gather3A_47 : vector<16xi1>, vector<16xf32>
          %select_n3A_109 = arith.select %eq3A_104, %gather3A_45, %select_n3A_108 : vector<16xi1>, vector<16xf32>
          %select_n3A_110 = arith.select %eq3A_101, %gather3A_44, %select_n3A_109 : vector<16xi1>, vector<16xf32>
          %select_n3A_111 = arith.select %eq3A_98, %gather3A_43, %select_n3A_110 : vector<16xi1>, vector<16xf32>
          %mul3A_112 = arith.constant 5 : i32
          %mul3A_113 = arith.muli %get3A_41, %mul3A_112 : i32
          %add3A_114 = vector.broadcast %mul3A_113 : i32 to vector<16xi32>
          %add3A_115 = arith.addi %add3A_114, %iota3A : vector<16xi32>
          %lt3A_116 = arith.constant 5 : i32
          %lt3A_117 = vector.broadcast %lt3A_116 : i32 to vector<16xi32>
          %lt3A_118 = arith.cmpi slt, %iota3A, %lt3A_117 : vector<16xi32>
          %and3A_119 = arith.andi %lt3A_118, %broadcast_in_dim3A_90 : vector<16xi1>
          tpu.vector_store_idx %arg16[%add3A_115], %select_n3A_111 masked %and3A_119 : memref<1024xf32, #tpu.memory_space<vmem>>[vector<16xi32>], vector<16xf32>, vector<16xi1>
          %add3A_120 = arith.constant 1 : i32
          %add3A_121 = arith.addi %get3A_41, %add3A_120 : i32
          %select_n3A_122 = arith.select %and3A_89, %add3A_121, %get3A_41 : i32
          %swap3A_123 = arith.constant 0 : i32
          %swap3A_124 = arith.index_cast %swap3A_123 : i32 to index
          %swap3A_125 = memref.load %arg22[%swap3A_124] : memref<1xi32, #tpu.memory_space<smem>>
          memref.store %select_n3A_122, %arg22[%swap3A_124] : memref<1xi32, #tpu.memory_space<smem>>
          %add3A_126 = arith.constant 1 : i32
          %add3A_127 = arith.addi %scan3A_37, %add3A_126 : i32
          %scan3A_128 = arith.constant 0 : i32
          scf.yield %add3A_127, %scan3A_128 : i32, i32
        }
        %scan3A_35 = arith.constant 16 : i32
      } else {
      }
    }
    %scan3A_19 = arith.constant 1250 : i32
    %convert_element_type3A = arith.extui %and3A : i1 to i32
    %cond3A = arith.constant 0 : i32
    %cond3A_20 = arith.cmpi ne, %convert_element_type3A, %cond3A : i32
    scf.if %cond3A_20 {
      "tpu.region"() ({
        %run_scoped3A = tpu.sem_alloc : memref<!tpu.dma_semaphore, #tpu.memory_space<semaphore_mem>>
        tpu.enqueue_dma source(%arg16 : memref<1024xf32, #tpu.memory_space<vmem>>) target(%arg9 : memref<1024xf32, #tpu.memory_space<hbm>>) target_semaphore(%run_scoped3A : memref<!tpu.dma_semaphore, #tpu.memory_space<semaphore_mem>>)
        tpu.wait_dma2 semaphore(%run_scoped3A : memref<!tpu.dma_semaphore, #tpu.memory_space<semaphore_mem>>) src(%arg16 : memref<1024xf32, #tpu.memory_space<vmem>>) dst(%arg9 : memref<1024xf32, #tpu.memory_space<hbm>>)
        tpu.yield
      }) : () -> ()
    } else {
    }
    return
  }
}

</mosaic_0001>

<sc_bundles>
// kernel: kernel.3.cloned.1.call-start
scs
__scs_entry_jumppad:
0x0: {  	(pc) =	sbr.rel $0x88, $3  }
0x1: {  	(tag) =	ssettag $0x0;
	lr =	simm.s32 $0x1  }
0x2: {  	[smem:$0x3F9F] =	sst lr;
	_ =	strace $0xD0000000  }
0x3: {  	_ = 	snop  }
0x4: {  	_ = 	snop  }
0x5: {  	_ = 	snop  }
0x6: {  	_ = 	snop  }
0x7: {  	_ = 	snop  }
__scs_overlays_trampoline_lowered:
0x8: {  	[smem:$0x3FAE] =	sst s0  }
0x9: {  	[smem:$0x3FAF] =	sst s1  }
0xa: {  	[smem:$0x3FB0] =	sst s2  }
0xb: {  	[smem:$0x3FB1] =	sst s3  }
0xc: {  	[smem:$0x3FB2] =	sst s4  }
0xd: {  	[smem:$0x3FB3] =	sst s5  }
0xe: {  	[smem:$0x3FB4] =	sst s6  }
0xf: {  	[smem:$0x3FB5] =	sst s7  }
0x10: {  	[smem:$0x3FB6] =	sst s8  }
0x11: {  	[smem:$0x3FB7] =	sst s9;
	s0 =	simm.s32 @!p0 $0x0  }
0x12: {  	s1 =	sld [smem:$0x3F9D];
	s0 =	simm.s32 @p0 $0x1  }
0x13: {  	[smem:$0x3FB8] =	sst s0;
	s0 =	simm.s32 @!p1 $0x0  }
0x14: {  	s2 =	sld [smem:$0x3F9C];
	s0 =	simm.s32 @p1 $0x1  }
0x15: {  	[smem:$0x3FB9] =	sst s0;
	s0 =	simm.s32 @!p2 $0x0  }
0x16: {  	s3 =	sld [smem:$0x3FDB];
	s0 =	simm.s32 @p2 $0x1  }
0x17: {  	s4 =	simm.s32 $0x1BF5;
	[smem:$0x3FBB] =	sst s0  }
0x18: {  	s0 =	sld [smem:$0x3F9E];
	_ =	swait.ge [sflag:s4], $0x0  }
0x19: {  	s7 =	sld [smem:$0x3F9F]  }
0x1a: {  	s8 =	sadd.s32 $0xFFFFE003, lr  }
0x1b: {  	s9 =	sadd.s32 $0xFFFFFEF7, lr;
	s5 =	simm.s32 $0xFFFFFFFF;
	p2 =	slt.u32 s8, $0xFFFFF086  }
0x1c: {  	p1 =	slt.u32 s9, $0xF7A;
	s5 =	simm.s32 @!p2 $0x0  }
0x1d: {  	s5 =	simm.s32 @p1 $0x1;
	p0 =	seq.s32 s7, s2  }
0x1e: {  	s7 =	smul.u32 @!p0 $0xF7A, s2;
	p2 =	seq.s32 @!p0 s5, $0x0  }
0x1f: {  	s9 =	smul.u32 $0xF7A, s1;
	s8 =	simm.s32 @!p0 $0x1BF5;
	p2 =	por !p2, p0  }
0x20: {  	[sflag:s8] =	ssyncset.s32 @!p0 $0xFFFFF086;
	s6 =	sadd.s32 @!p0 s3, s7;
	s7 =	simm.s32 @!p0 $0x108  }
0x21: {  	s3 =	sadd.s32 s3, s9;
	s6 =	sadd.s32 @!p0 $0x88, s6;
	s7 =	simm.s32 @p2 $0x1082  }
0x22: {  	[simem:s7], [sflag:s8] =	dma.local @!p0 [hbm:s6], $0xF7A  }
0x23: {  	s9 =	sor.u32 $0xD0000000, s2;
	s6 =	simm.s32 $0x108;
	_ =	swait.ge @!p0 [sflag:s8], $0x0  }
0x24: {  	s3 =	sadd.s32 $0x88, s3;
	s6 =	simm.s32 @!p1 $0x1082;
	[sflag:s4] =	ssyncset.s32 $0xFFFFF086  }
0x25: {  	[simem:s6], [sflag:s4] =	dma.local [hbm:s3], $0xF7A  }
0x26: {  	[smem:$0x3F9F] =	sst s1;
	(tag) =	ssettag s2;
	_ =	strace s9  }
0x27: {  	s1 =	sld [smem:$0x3FAF]  }
0x28: {  	s2 =	sld [smem:$0x3FB0]  }
0x29: {  	s4 =	sld [smem:$0x3FB2]  }
0x2a: {  	p0 =	seq.s32 s5, $0x0;
	s5 =	sld [smem:$0x3FB3]  }
0x2b: {  	s6 =	sld [smem:$0x3FB4]  }
0x2c: {  	s7 =	sld [smem:$0x3FB5]  }
0x2d: {  	s3 =	simm.s32 $0x108;
	s8 =	sld [smem:$0x3FB6]  }
0x2e: {  	s3 =	simm.s32 @!p0 $0x1082;
	s9 =	sld [smem:$0x3FB7]  }
0x2f: {  	lr =	sadd.s32 s0, s3;
	s0 =	sld [smem:$0x3FAE]  }
0x30: {  	s3 =	sld [smem:$0x3FB1]  }
0x31: {  	[smem:$0x3FBA] =	sst s10  }
0x32: {  	s10 =	sld [smem:$0x3FB8];
	_ =	sdelay $0x3  }
0x33: {  	p0 =	seq.s32 s10, $0x1;
	s10 =	sld [smem:$0x3FBA];
	_ =	sdelay $0x3  }
0x34: {  	[smem:$0x3FBA] =	sst s10  }
0x35: {  	s10 =	sld [smem:$0x3FB9];
	_ =	sdelay $0x3  }
0x36: {  	p1 =	seq.s32 s10, $0x1;
	s10 =	sld [smem:$0x3FBA];
	_ =	sdelay $0x3  }
0x37: {  	[smem:$0x3FBA] =	sst s10  }
0x38: {  	s10 =	sld [smem:$0x3FBB]  }
0x39: {  	_ = 	snop;
	(pc) =	sbr.ind lr, $3  }
0x3a: {  	_ = 	snop  }
0x3b: {  	_ = 	snop  }
0x3c: {  	p2 =	seq.s32 s10, $0x1;
	s10 =	sld [smem:$0x3FBA]  }
0x3d: {  	_ =	shalt  }
0x3e: {  	_ =	shalt  }
0x3f: {  	_ =	shalt  }
0x40: {  	_ =	shalt  }
0x41: {  	_ =	shalt  }
0x42: {  	_ =	shalt  }
0x43: {  	_ =	shalt  }
0x44: {  	_ =	shalt  }
0x45: {  	_ =	shalt  }
0x46: {  	_ =	shalt  }
0x47: {  	_ =	shalt  }
0x48: {  	_ =	shalt  }
0x49: {  	_ =	shalt  }
0x4a: {  	_ =	shalt  }
0x4b: {  	_ =	shalt  }
0x4c: {  	_ =	shalt  }
0x4d: {  	_ =	shalt  }
0x4e: {  	_ =	shalt  }
0x4f: {  	_ =	shalt  }
0x50: {  	_ =	shalt  }
0x51: {  	_ =	shalt  }
0x52: {  	_ =	shalt  }
0x53: {  	_ =	shalt  }
0x54: {  	_ =	shalt  }
0x55: {  	_ =	shalt  }
0x56: {  	_ =	shalt  }
0x57: {  	_ =	shalt  }
0x58: {  	_ =	shalt  }
0x59: {  	_ =	shalt  }
0x5a: {  	_ =	shalt  }
0x5b: {  	_ =	shalt  }
0x5c: {  	_ =	shalt  }
0x5d: {  	_ =	shalt  }
0x5e: {  	_ =	shalt  }
0x5f: {  	_ =	shalt  }
0x60: {  	_ =	shalt  }
0x61: {  	_ =	shalt  }
0x62: {  	_ =	shalt  }
0x63: {  	_ =	shalt  }
0x64: {  	_ =	shalt  }
0x65: {  	_ =	shalt  }
0x66: {  	_ =	shalt  }
0x67: {  	_ =	shalt  }
0x68: {  	_ =	shalt  }
0x69: {  	_ =	shalt  }
0x6a: {  	_ =	shalt  }
0x6b: {  	_ =	shalt  }
0x6c: {  	_ =	shalt  }
0x6d: {  	_ =	shalt  }
0x6e: {  	_ =	shalt  }
0x6f: {  	_ =	shalt  }
0x70: {  	_ =	shalt  }
0x71: {  	_ =	shalt  }
0x72: {  	_ =	shalt  }
0x73: {  	_ =	shalt  }
0x74: {  	_ =	shalt  }
0x75: {  	_ =	shalt  }
0x76: {  	_ =	shalt  }
0x77: {  	_ =	shalt  }
0x78: {  	_ =	shalt  }
0x79: {  	_ =	shalt  }
0x7a: {  	_ =	shalt  }
0x7b: {  	_ =	shalt  }
0x7c: {  	_ =	shalt  }
0x7d: {  	_ =	shalt  }
0x7e: {  	_ =	shalt  }
0x7f: {  	_ =	shalt  }
0x80: {  	_ =	shalt  }
0x81: {  	_ =	shalt  }
0x82: {  	_ =	shalt  }
0x83: {  	_ =	shalt  }
0x84: {  	_ =	shalt  }
0x85: {  	_ =	shalt  }
0x86: {  	_ =	shalt  }
0x87: {  	_ =	shalt  }
.Lfunc_end0:
.L_simem_size_0:
called_computation_lowered:
.L_overlay_start_0:
0x88: {  	s2 =	sld [smem:$0x3FD9]  }
0x89: {  	s3 =	sld [smem:$0x3FFE];
	_ =	sdelay $0x1  }
0x8a: {  	s1 =	srdreg.scid  }
0x8b: {  	s0 =	sand.u32 $0x1, s1  }
0x8c: {  	s17 =	sshll.u32 s0, $0xA;
	s2 =	sadd.s32 s3, s2  }
0x8d: {  	s2 =	sadd.s32 s2, s17  }
0x8e: {  	[smem:$0x3FC6] =	sst s2  }
0x8f: {  	_ = 	snop  }
0x90: {  	s2 =	sld [smem:$0x3FC8]  }
0x91: {  	s18 =	sld [smem:$0x3FD0];
	(tm) =	ssettm $0x1  }
0x92: {  	s4 =	sld [smem:$0x3FFB];
	_ =	sdelay $0x3  }
0x93: {  	_ =	strace s4  }
0x94: {  	s4 =	sld [smem:$0x3FFC];
	_ =	sdelay $0x3  }
0x95: {  	_ =	strace s4  }
0x96: {  	s4 =	sld [smem:$0x3FFD];
	_ =	sdelay $0x3  }
0x97: {  	_ =	strace s4  }
0x98: {  	_ =	strace $0x8FFFFFFF  }
0x99: {  	s19 =	sld [smem:$0x3FDB];
	_ =	sdelay $0x1  }
0x9a: {  	s5 =	simm.s32 $_scs_section_size  }
0x9b: {  	s6 =	simm.s32 $_size__tile_overlayer_lowered;
	s7 =	simm.s32 $_tile_overlayer_lowered  }
0x9c: {  	s22 =	simm.s32 $0x1BFF;
	s21 =	sshll.u32 s7, $0x1;
	s4 =	sadd.s32 s5, s19  }
0x9d: {  	s8 =	simm.s32 $0x0;
	s20 =	sshll.u32 s6, $0x1;
	s6 =	sadd.s32 s21, s4  }
0x9e: {  	[timem:s8], [sflag:s22] =	dma.local [hbm:s6], s20  }
0x9f: {  	_ =	swait.ge [sflag:s22], s20  }
0xa0: {  	s5 =	ssub.s32 $0x0, s20;
	[sflag:s22] =	ssyncset.done $0x0  }
0xa1: {  	[sflag:s22] =	ssyncadd.s32 s5;
	_ =	sdelay $0x1  }
0xa2: {  	s23 =	simm.s32 $0x1B8B  }
0xa3: {  	_ =	swait.ge [sflag:s23], $0x1  }
0xa4: {  	[sflag:s23] =	ssyncset.done $0x0  }
0xa5: {  	s25 =	simm.s32 $0x1B8E;
	s24 =	sld [smem:$0x3FFE];
	[sflag:s23] =	ssyncadd.s32 $0xFFFFFFFF  }
0xa6: {  	s26 =	simm.s32 $execute0_lowered;
	[smem:$0x3FD2] =	sst s25  }
0xa7: {  	s6 =	sshll.u32 s26, $0x1;
	_ =	strace $0x80000046;
	[dreg:$0x1] =	wrdreg $0xFFFFFFFF  }
0xa8: {  	s28 =	simm.s32 $_size_execute0_lowered;
	s4 =	sadd.s32 s4, s6;
	[dreg:$0x0] =	wrdreg $0x0  }
0xa9: {  	s6 =	sshll.u32 s28, $0x1;
	[dreg:$0x2] =	wrdreg s4  }
0xaa: {  	[dreg:$0x3] =	wrdreg s6  }
0xab: {  	[dreg:$0x4] =	wrdreg $0xC0  }
0xac: {  	_ =	task [dreg:s8], $0x5FFFF  }
0xad: {  	[dreg:$0x1] =	wrdreg $0xFFFFFFFF  }
0xae: {  	[dreg:$0x0] =	wrdreg $0x60  }
0xaf: {  	[dreg:$0x2] =	wrdreg s24  }
0xb0: {  	[dreg:$0x3] =	wrdreg s2  }
0xb1: {  	[dreg:$0x4] =	wrdreg s18  }
0xb2: {  	[dreg:$0x5] =	wrdreg $0x9  }
0xb3: {  	_ =	task.clear_ibuf [dreg:s8], $0x6FFFF;
	_ =	strace $0x90000046  }
0xb4: {  	s29 =	simm.s32 $0x9;
	_ =	strace $0x80000048  }
0xb5: {  	_ =	swait.ge [sflag:s29], $0x1  }
0xb6: {  	[sflag:s29] =	ssyncadd.s32 $0xFFFFFFFF  }
0xb7: {  	_ =	strace $0x90000048  }
0xb8: {  	_ =	sfence  }
0xb9: {  	s30 =	sld [smem:$0x0];
	_ =	sdelay $0x2  }
0xba: {  	s31 =	sshll.u32 s1, $0xD;
	s1 =	sshrl.u32 s1, $0x2  }
0xbb: {  	s3 =	sand.u32 $0x4000, s31;
	s1 =	sadd.s32 s1, s30  }
0xbc: {  	s0 =	sor.u32 s3, s0;
	s1 =	sshll.u32 s1, $0x11  }
0xbd: {  	s0 =	sor.u32 s1, s0  }
0xbe: {  	s0 =	sadd.s32 $0x8F2B, s0  }
0xbf: {  	[sflag:s0] =	ssyncadd.remote.s32 $0x1  }
0xc0: {  	_ =	sfence.sel $0xFFFF  }
0xc1: {  	[dreg:$0x0] =	wrdreg $0xFFFFFFFF;
	(pc) =	sbr.abs _section_cstart, $3  }
0xc2: {  	[dreg:$0x1] =	wrdreg $0xFFFFFFFF  }
0xc3: {  	_ =	task.clear_ibuf [dreg:s8], $0x2FFFF;
	_ =	strace $0x9FFFFFFF  }
0xc4: {  	(tm) =	ssettm $0x7FFFFFFF  }
0xc5: {  	_ =	shalt  }
tec
execute0_lowered:
.L_overlay_start_1:
0x0: {  	(tag) =	ssettag $0x1  }
0x1: {  	s1 =	rddreg [dreg:$0x0]  }
0x2: {  	s0 =	srdreg.scid;
	_ =	strace $0x80000047;
	s5 =	stileid.u32  }
0x3: {  	s11 =	simm.s32 $0x0;
	s12 =	simm.s32 $0x1;
	s13 =	simm.s32 $0x4E80  }
0x4: {  	s14 =	simm.s32 $0x9D00;
	s15 =	simm.s32 $0xEB80;
	s16 =	simm.s32 $0x13A00  }
0x5: {  	s17 =	simm.s32 $0x18880;
	s18 =	simm.s32 $0x1D700;
	s19 =	simm.s32 $0x1DB00  }
0x6: {  	s20 =	simm.s32 $0x1DC00;
	s21 =	simm.s32 $0x1DD00;
	s22 =	simm.s32 $0x1DE00  }
.Ltmp0:
0x7: {  	s23 =	simm.s32 $0x1DF00;
	s0 =	sand.u32 $0x1, s0;
	(pc) =	sbr.rel .LBB2_1-.Ltmp0, $4  }
0x8: {  	s24 =	simm.s32 $0x0;
	s4 =	sadd.s32 $0x1E00, s1;
	s2 =	ssub.s32 $0x2, s0  }
0x9: {  	v0 =	vimm.f32 $-1.000000000e+06;
	v1 =	vimm.f32 $0.0e+00;
	vm0 =	vmxor vm0, vm0;
	s6 =	sadd.s32 $0x1400, s1;
	s7 =	sadd.s32 $0xA00, s1;
	s3 =	sshrl.u32 s2, $0x1  }
0xa: {  	vm1 =	vmmov $0x1;
	vm2 =	vcmask $0x3F10;
	vm3 =	vcmask $0x3F0C;
	s8 =	sadd.s32 $0x3200, s1;
	s0 =	sor.u32 s5, s0;
	s2 =	ssub.s32 s2, s3  }
0xb: {  	vm4 =	vcmask $0x3F08;
	v2 =	vlaneseq.u32;
	vm5 =	vmmov $0x1f;
	s9 =	sadd.s32 $0x2800, s1;
	p0 =	sne.s32 s0, $0x0;
	s10 =	smax.u32 s2, $0x1  }
.LBB2_22:
0xc: {  	s0 =	simm.s32 @!p0 $0x0;
	s2 =	simm.s32 @!p0 $0x1D700;
	s24 =	sadd.s32 $0x1, s24  }
0xd: {  	[hbm4b:s9+s0] =	stream.linear.scatter @!p0 [tilespmem:s2], [sflag:$0x1], $0x400, $0x38;
	[tilespmem:$0x1E000] =	vst v63  }
0xe: {  	p1 =	sne.s32 s24, s10  }
.Ltmp1:
0xf: {  	_ = 	snop;
	(pc) =	sbr.rel @!p1 .LBB2_23-.Ltmp1, $4  }
0x10: {  	s0 =	simm.s32 @!p0 $0x1  }
0x11: {  	_ =	swait.ge @!p0 [sflag:s0], $0x400  }
0x12: {  	[sflag:s0] =	ssyncset.done @!p0 $0x0  }
0x13: {  	[sflag:s0] =	ssyncadd.s32 @!p0 $0xFFFFFC00  }
.LBB2_1:
0x14: {  	[tilespmem:s11], [sflag:$0x1] =	stream.linear.gather [hbm4b:s4+s11], $0x4E80, $0x38;
	[tilespmem:$0x1E000] =	vst v63  }
0x15: {  	_ =	swait.ge [sflag:s12], $0x4E80  }
0x16: {  	[sflag:s12] =	ssyncset.done $0x0  }
0x17: {  	[sflag:s12] =	ssyncadd.s32 $0xFFFFB180  }
0x18: {  	[tilespmem:s13], [sflag:$0x1] =	stream.linear.gather [hbm4b:s6+s11], $0x4E80, $0x38;
	[tilespmem:$0x1E000] =	vst v63  }
0x19: {  	_ =	swait.ge [sflag:s12], $0x4E80  }
0x1a: {  	[sflag:s12] =	ssyncset.done $0x0  }
0x1b: {  	[sflag:s12] =	ssyncadd.s32 $0xFFFFB180  }
0x1c: {  	[tilespmem:s14], [sflag:$0x1] =	stream.linear.gather [hbm4b:s7+s11], $0x4E80, $0x38;
	[tilespmem:$0x1E000] =	vst v63  }
0x1d: {  	_ =	swait.ge [sflag:s12], $0x4E80  }
0x1e: {  	[sflag:s12] =	ssyncset.done $0x0  }
0x1f: {  	[sflag:s12] =	ssyncadd.s32 $0xFFFFB180  }
0x20: {  	[tilespmem:s15], [sflag:$0x1] =	stream.linear.gather [hbm4b:s1+s11], $0x4E80, $0x38;
	[tilespmem:$0x1E000] =	vst v63  }
0x21: {  	_ =	swait.ge [sflag:s12], $0x4E80  }
0x22: {  	[sflag:s12] =	ssyncset.done $0x0  }
0x23: {  	[sflag:s12] =	ssyncadd.s32 $0xFFFFB180  }
0x24: {  	s0 =	rddreg [dreg:$0x1]  }
0x25: {  	[tilespmem:s16], [sflag:$0x1] =	stream.linear.gather [hbm4b:s0+s11], $0x4E80, $0x38;
	[tilespmem:$0x1E000] =	vst v63  }
0x26: {  	_ =	swait.ge [sflag:s12], $0x4E80  }
0x27: {  	[sflag:s12] =	ssyncset.done $0x0  }
0x28: {  	[sflag:s12] =	ssyncadd.s32 $0xFFFFB180  }
0x29: {  	[tilespmem:s17], [sflag:$0x1] =	stream.linear.gather [hbm4b:s8+s11], $0x4E80, $0x38;
	[tilespmem:$0x1E000] =	vst v63  }
0x2a: {  	_ =	swait.ge [sflag:s12], $0x4E80  }
0x2b: {  	[sflag:s12] =	ssyncset.done $0x0  }
0x2c: {  	[sflag:s12] =	ssyncadd.s32 $0xFFFFB180  }
0x2d: {  	s31 =	rddreg [dreg:$0x2]  }
0x2e: {  	[tilespmem:s18], [sflag:$0x1] =	stream.linear.gather [hbm4b:s31+s11], $0x400, $0x38;
	[tilespmem:$0x1E000] =	vst v63  }
0x2f: {  	_ =	swait.ge [sflag:s12], $0x400  }
0x30: {  	[sflag:s12] =	ssyncset.done $0x0  }
0x31: {  	s2 =	simm.s32 $0x40;
	s0 =	simm.s32 $0x0;
	[sflag:s12] =	ssyncadd.s32 $0xFFFFFC00  }
.LBB2_2:
0x32: {  	p1 =	sne.s32 s2, $0x300;
	[tilespmem:s0+$0x1DF00] =	vst v1;
	s3 =	smov.u32 s2;
	s2 =	sadd.s32 $0x40, s2  }
.Ltmp2:
0x33: {  	[tilespmem:s0+$0x1DE00] =	vst v0;
	(pc) =	sbr.rel @p1 .LBB2_2-.Ltmp2, $4  }
0x34: {  	[tilespmem:s0+$0x1DD00] =	vst v0  }
0x35: {  	[tilespmem:s0+$0x1DB00] =	vst v0  }
0x36: {  	[tilespmem:s0+$0x1DC00] =	vst v0  }
0x37: {  	s0 =	sshra.s32 s3, $0x2  }
.Ltmp3:
0x38: {  	[tilespmem:s0+$0x1DF00] =	vst v1;
	(pc) =	sbr.rel .LBB2_4-.Ltmp3, $4  }
0x39: {  	[tilespmem:s0+$0x1DE00] =	vst v0  }
0x3a: {  	[tilespmem:s0+$0x1DD00] =	vst v0  }
0x3b: {  	[tilespmem:s0+$0x1DB00] =	vst v0;
	s25 =	simm.s32 $0x0  }
0x3c: {  	[tilespmem:s0+$0x1DC00] =	vst v0;
	s26 =	simm.s32 $0x10;
	s28 =	simm.s32 $0x0;
	[smem:$0x0] =	sst s25  }
.LBB2_21:
0x3d: {  	s25 =	sadd.s32 $0x1, s25  }
0x3e: {  	p1 =	sne.s32 s25, $0x4E2  }
.Ltmp4:
0x3f: {  	_ = 	snop;
	(pc) =	sbr.rel @!p1 .LBB2_22-.Ltmp4, $2  }
0x40: {  	_ =	sdelay $0x2  }
0x41: {  	s26 =	sadd.s32 $0x10, s26  }
.LBB2_4:
0x42: {  	p1 =	sgt.s32 s28, $0xC7  }
.Ltmp5:
0x43: {  	_ = 	snop;
	(pc) =	sbr.rel @p1 .LBB2_21-.Ltmp5, $1  }
0x44: {  	_ =	sdelay $0x3  }
.Ltmp6:
0x45: {  	(pc) =	sbr.rel .LBB2_6-.Ltmp6, $2  }
0x46: {  	_ =	sdelay $0x2  }
0x47: {  	s29 =	sshll.u32 s25, $0x4  }
.LBB2_8:
0x48: {  	v17 =	vimm.f32 $0.0e+00;
	v18 =	vmovc v13;
	v22 =	vmov v12;
	v19 =	vmov v11  }
.LBB2_19:
0x49: {  	v21 =	vmul.f32 @p1 v23, v21;
	v18 =	vmax.f32 v3, v18  }
0x4a: {  	v22 =	vmax.f32 v4, v22;
	v60 =	vmin.f32 v5, v24;
	v10 =	vmin.f32 v6, v10  }
0x4b: {  	v18 =	vsub.f32 v60, v18;
	v10 =	vsub.f32 v10, v22  }
0x4c: {  	v14 =	vsub.f32 @p1 v14, v21  }
0x4d: {  	v18 =	vmax.f32 v18, $0.0e+00;
	v10 =	vmax.f32 v10, $0.0e+00  }
0x4e: {  	v19 =	vadd.f32 v19, v8;
	v14 =	vadd.f32 @p1 $9.999999710e-10, v14;
	v10 =	vmul.f32 v10, v18  }
0x4f: {  	(erf) = vrcp.f32 @p2 v16  }
0x50: {  	v14 =	vpsel p1, v14, v15;
	v61 =	vsub.f32 v19, v10  }
0x51: {  	(erf) = vrcp.f32 @p1 v14  }
0x52: {  	v62 =	vadd.f32 $9.999999710e-10, v61;
	_ =	sdelay $0x1  }
0x53: {  	v14 =	vpop @p3 (erf);
	(erf) = vrcp.f32 v62  }
0x54: {  	v14 =	vmul.f32 @p3 v14, v25;
	_ =	sdelay $0x1  }
0x55: {  	v14 =	vpsel p3, v14, v0  }
0x56: {  	v17 =	vmax.f32 @p4 v17, v20;
	v11 =	vpsel p2, v13, v11;
	v15 =	vmov @p1 v21;
	v16 =	vpop @p2 (erf)  }
0x57: {  	v13 =	vpsel p4, v17, v9;
	v12 =	vpsel p1, v15, v12;
	v11 =	vmul.f32 @p2 v16, v11  }
0x58: {  	v12 =	vpsel p1, v12, v0;
	v13 =	vmax.f32 @p3 v13, v14;
	v14 =	vpop @p1 (erf)  }
0x59: {  	v11 =	vpsel p2, v11, v0;
	v13 =	vpsel p3, v13, v9;
	v12 =	vmul.f32 @p1 v14, v12  }
0x5a: {  	v11 =	vmax.f32 @p2 v13, v11  }
0x5b: {  	v11 =	vpsel p2, v11, v9;
	v12 =	vpsel p1, v12, v0;
	v63 =	vpop (erf)  }
0x5c: {  	v11 =	vmax.f32 @p1 v11, v12;
	v10 =	vmul.f32 v63, v10  }
0x5d: {  	v9 =	vpsel p1, v11, v9  }
0x5e: {  	v9 =	vmax.f32 v9, v10  }
.LBB2_20:
0x5f: {  	(xrf0) =	vmax.scan.msk.f32 $0xffff, v9;
	_ =	sdelay $0x5  }
0x60: {  	v9, _, _ =	vpop (xrf0)  }
0x61: {  	(v2sf) =	vpush v9, $0xF;
	_ =	sdelay $0xe  }
0x62: {  	s0 =	spop (v2sf)  }
0x63: {  	p1 =	sle.f32 s0, $6.000000240e-01  }
0x64: {  	p2 =	slt.s32 s28, $0xC8  }
0x65: {  	p1 =	por !p2, !p1  }
0x66: {  	vm6 =	vmmov vm0;
	p1 =	por !p1, !p1  }
0x67: {  	vm6 =	vmneg @p1 vm6  }
0x68: {  	vm7 =	vmand vm6, vm1  }
0x69: {  	v61 =	vmov s28  }
0x6a: {  	v7 =	vld.idx.msk [tilespmem:v7+s16+$0x0], $0xffff;
	_ =	sdelay $0x1  }
0x6b: {  	s31 =	smul.u32 $0x5, s28  }
0x6c: {  	s29 =	sadd.s32 $0x1, s29;
	s0 =	simm.s32 $0x1;
	vm6 =	vmand vm6, vm5  }
0x6d: {  	v10 =	vadd.s32 s31, v2;
	s0 =	simm.s32 @!p1 $0x0;
	p1 =	sne.s32 s29, s26;
	[tilespmem:v61+s19+$0x0] =	vst.idx.msk vm7, v3  }
.Ltmp7:
0x6e: {  	v7 =	vsel vm2, v7, v6;
	[tilespmem:v61+s20+$0x0] =	vst.idx.msk vm7, v4;
	(pc) =	sbr.rel @!p1 .LBB2_21-.Ltmp7, $4  }
0x6f: {  	v62 =	vsel vm3, v7, v5;
	[tilespmem:v61+s21+$0x0] =	vst.idx.msk vm7, v5  }
0x70: {  	v63 =	vsel vm4, v62, v4;
	[tilespmem:v61+s22+$0x0] =	vst.idx.msk vm7, v6  }
0x71: {  	s28 =	sadd.s32 s0, s28;
	v3 =	vsel vm1, v3, v63;
	[tilespmem:v61+s23+$0x0] =	vst.idx.msk vm7, v8  }
0x72: {  	[smem:$0x0] =	sst s28;
	[tilespmem:v10+s18+$0x0] =	vst.idx.msk vm6, v3  }
.LBB2_6:
0x73: {  	v3 =	vmov s29;
	_ =	sdelay $0x4  }
0x74: {  	v7 =	vld.idx.msk [tilespmem:v3+s17+$0x0], $0xffff;
	_ =	sdelay $0x5  }
0x75: {  	s0 =	sadd.s32 $0xF, s28  }
0x76: {  	s2 =	sand.u32 $0xF, s0  }
0x77: {  	s31 =	sshra.s32 s0, $0x1F;
	p2 =	slt.s32 s0, $0x1;
	p1 =	sne.s32 s2, $0x0;
	v3 =	vld.idx.msk [tilespmem:v7+s11+$0x0], $0xffff  }
0x78: {  	s2 =	sshrl.u32 s31, $0x1C;
	p1 =	por !p2, !p1;
	v4 =	vld.idx.msk [tilespmem:v7+s13+$0x0], $0xffff  }
0x79: {  	s0 =	sadd.s32 s2, s0;
	s2 =	simm.s32 $0x1;
	p1 =	por !p1, !p1;
	v5 =	vld.idx.msk [tilespmem:v7+s14+$0x0], $0xffff  }
0x7a: {  	s0 =	sshra.s32 s0, $0x4;
	s2 =	simm.s32 @!p1 $0x0;
	v6 =	vld.idx.msk [tilespmem:v7+s15+$0x0], $0xffff  }
0x7b: {  	s0 =	ssub.s32 s0, s2  }
0x7c: {  	p1 =	slt.s32 s0, $0x1  }
.Ltmp8:
0x7d: {  	_ = 	snop;
	(pc) =	sbr.rel @p1 .LBB2_20-.Ltmp8, $3  }
0x7e: {  	_ = 	snop  }
0x7f: {  	v8 =	vsub.f32 v5, v3;
	v9 =	vsub.f32 v6, v4;
	_ =	sdelay $0x1  }
0x80: {  	v8 =	vmul.f32 v9, v8;
	v9 =	vimm.f32 $0.0e+00  }
0x81: {  	s2 =	simm.s32 $0x1DB00  }
0x82: {  	s3 =	simm.s32 $0x1DC00;
	v13 =	vld [tilespmem:s2+$0x0]  }
0x83: {  	s30 =	simm.s32 $0x1DD00;
	v12 =	vld [tilespmem:s3+$0x0]  }
0x84: {  	s5 =	simm.s32 $0x1DF00;
	p5 =	sne.s32 s0, $0x1;
	v24 =	vld [tilespmem:s30+$0x0]  }
.Ltmp9:
0x85: {  	s31 =	simm.s32 $0x1DE00;
	v11 =	vld [tilespmem:s5+$0x0];
	(pc) =	sbr.rel @!p5 .LBB2_8-.Ltmp9, $3  }
0x86: {  	v10 =	vld [tilespmem:s31+$0x0];
	_ =	sdelay $0x1  }
0x87: {  	s0 =	sadd.s32 $0xFFFFFFFF, s0;
	p1 =	por $0x0, $0x0;
	p2 =	por $0x0, $0x0  }
0x88: {  	p3 =	por $0x0, $0x0;
	p4 =	por $0x0, $0x0;
	s2 =	simm.s32 $0x1DB10  }
0x89: {  	v18 =	vld [tilespmem:s2+$0x0];
	s3 =	simm.s32 $0x1DC10  }
0x8a: {  	s5 =	simm.s32 $0x1DD10;
	p5 =	sne.s32 s0, $0x1;
	v22 =	vld [tilespmem:s3+$0x0]  }
.Ltmp10:
0x8b: {  	v12 =	vmax.f32 v4, v12;
	v14 =	vmin.f32 v5, v24;
	s30 =	simm.s32 $0x1DE10;
	v10 =	vmin.f32 v6, v10;
	v24 =	vld [tilespmem:s5+$0x0];
	(pc) =	sbr.rel @!p5 .LBB2_10-.Ltmp10, $4  }
0x8c: {  	v13 =	vmax.f32 v3, v13;
	v12 =	vsub.f32 v10, v12;
	v10 =	vld [tilespmem:s30+$0x0]  }
0x8d: {  	v13 =	vsub.f32 v14, v13  }
0x8e: {  	s31 =	simm.s32 $0x1DF10  }
0x8f: {  	s0 =	sadd.s32 $0xFFFFFFFF, s0;
	s2 =	simm.s32 $0x1DB20;
	p1 =	por $0x1, $0x1;
	v19 =	vld [tilespmem:s31+$0x0];
	v14 =	vadd.f32 v11, v8;
	v21 =	vmax.f32 v13, $0.0e+00;
	v23 =	vmax.f32 v12, $0.0e+00  }
0x90: {  	s3 =	simm.s32 $0x1DC20  }
0x91: {  	v11 =	vmul.f32 v23, v21;
	v13 =	vmax.f32 v4, v22;
	s5 =	simm.s32 $0x1DD20;
	p5 =	sne.s32 s0, $0x1;
	v22 =	vld [tilespmem:s3+$0x0]  }
.Ltmp11:
0x92: {  	v12 =	vmax.f32 v3, v18;
	v16 =	vmin.f32 v5, v24;
	s30 =	simm.s32 $0x1DE20;
	v10 =	vmin.f32 v6, v10;
	v24 =	vld [tilespmem:s5+$0x0];
	(pc) =	sbr.rel @!p5 .LBB2_12-.Ltmp11, $4  }
0x93: {  	v12 =	vsub.f32 v16, v12;
	v13 =	vsub.f32 v10, v13;
	v10 =	vld [tilespmem:s30+$0x0]  }
0x94: {  	v14 =	vsub.f32 v14, v11  }
0x95: {  	v15 =	vld [tilespmem:s2+$0x0];
	s31 =	simm.s32 $0x1DF20;
	v21 =	vmax.f32 v12, $0.0e+00  }
0x96: {  	s0 =	sadd.s32 $0xFFFFFFFF, s0;
	s2 =	simm.s32 $0x1DB30;
	p2 =	por $0x1, $0x1;
	v26 =	vld [tilespmem:s31+$0x0];
	v16 =	vadd.f32 $9.999999710e-10, v14;
	v23 =	vmax.f32 v13, $0.0e+00;
	v14 =	vadd.f32 v19, v8  }
0x97: {  	_ = 	snop  }
0x98: {  	v12 =	vmul.f32 v23, v21;
	v18 =	vld [tilespmem:s2+$0x0];
	s30 =	simm.s32 $0x1DD30  }
0x99: {  	s5 =	simm.s32 $0x1DC30;
	v17 =	vmin.f32 v5, v24;
	p5 =	sne.s32 s0, $0x1;
	v10 =	vmin.f32 v6, v10;
	v24 =	vld [tilespmem:s30+$0x0]  }
.Ltmp12:
0x9a: {  	s31 =	simm.s32 $0x1DE30;
	v14 =	vsub.f32 v14, v12;
	v13 =	vmax.f32 v3, v15;
	v15 =	vmax.f32 v4, v22;
	v22 =	vld [tilespmem:s5+$0x0];
	(pc) =	sbr.rel @!p5 .LBB2_14-.Ltmp12, $3  }
0x9b: {  	v13 =	vsub.f32 v17, v13;
	v17 =	vsub.f32 v10, v15;
	v10 =	vld [tilespmem:s31+$0x0];
	_ =	sdelay $0x1  }
0x9c: {  	s3 =	simm.s32 $0x1DF30;
	(erf) = vrcp.f32 v16;
	v15 =	vadd.f32 $9.999999710e-10, v14  }
0x9d: {  	s2 =	sadd.s32 $0xFFFFFFFF, s0;
	s0 =	simm.s32 $0x1DB40;
	p3 =	por $0x1, $0x1;
	v19 =	vld [tilespmem:s3+$0x0];
	v14 =	vadd.f32 v26, v8;
	v21 =	vmax.f32 v13, $0.0e+00;
	v23 =	vmax.f32 v17, $0.0e+00  }
0x9e: {  	_ =	sdelay $0x2  }
0x9f: {  	v13 =	vmul.f32 v23, v21;
	v27 =	vld [tilespmem:s0+$0x0];
	s30 =	simm.s32 $0x1DC40;
	v16 =	vmax.f32 v3, v18  }
0xa0: {  	v17 =	vmax.f32 v4, v22;
	v18 =	vmin.f32 v5, v24;
	s31 =	simm.s32 $0x1DD40;
	(erf) = vrcp.f32 v15;
	p5 =	sne.s32 s2, $0x1;
	v22 =	vld [tilespmem:s30+$0x0]  }
.Ltmp13:
0xa1: {  	s0 =	simm.s32 $0x1DE40;
	v10 =	vmin.f32 v6, v10;
	v18 =	vsub.f32 v18, v16;
	v24 =	vld [tilespmem:s31+$0x0];
	(pc) =	sbr.rel @!p5 .LBB2_16-.Ltmp13, $4  }
0xa2: {  	v14 =	vsub.f32 v14, v13;
	v17 =	vsub.f32 v10, v17;
	v10 =	vld [tilespmem:s0+$0x0]  }
0xa3: {  	v20 =	vpop (erf)  }
0xa4: {  	s5 =	simm.s32 $0x1DF40;
	v21 =	vmax.f32 v18, $0.0e+00;
	v16 =	vadd.f32 $9.999999710e-10, v14;
	v20 =	vmul.f32 v20, v11  }
0xa5: {  	s2 =	sadd.s32 $0xFFFFFFFF, s2;
	s3 =	simm.s32 $0x1DB50;
	p4 =	por $0x1, $0x1;
	v25 =	vmovc v12;
	v26 =	vld [tilespmem:s5+$0x0];
	v23 =	vmax.f32 v17, $0.0e+00;
	v14 =	vadd.f32 v19, v8;
	v17 =	vimm.f32 $0.0e+00  }
.LBB2_17:
0xa6: {  	v18 =	vld [tilespmem:s3+$0x0];
	s30 =	sadd.s32 $0x10, s30;
	v19 =	vmul.f32 v23, v21;
	(erf) = vrcp.f32 v16;
	v17 =	vmax.f32 v17, v20;
	p5 =	sne.s32 s2, $0x1  }
.Ltmp14:
0xa7: {  	v16 =	vmax.f32 v3, v27;
	v27 =	vmax.f32 v4, v22;
	s31 =	sadd.s32 $0x10, s31;
	v22 =	vld [tilespmem:s30+$0x0];
	(pc) =	sbr.rel @p5 .LBB2_17-.Ltmp14, $4  }
0xa8: {  	s0 =	sadd.s32 $0x10, s0;
	v21 =	vmin.f32 v5, v24;
	v24 =	vld [tilespmem:s31+$0x0];
	v23 =	vmin.f32 v6, v10;
	v14 =	vsub.f32 v14, v19  }
0xa9: {  	s2 =	sadd.s32 $0xFFFFFFFF, s2;
	v21 =	vsub.f32 v21, v16;
	v10 =	vld [tilespmem:s0+$0x0];
	v23 =	vsub.f32 v23, v27;
	v20 =	vpop (erf)  }
0xaa: {  	s5 =	sadd.s32 $0x10, s5;
	v16 =	vadd.f32 $9.999999710e-10, v14;
	v20 =	vmul.f32 v20, v25;
	v25 =	vmovc v13;
	v13 =	vmov v19  }
0xab: {  	s3 =	sadd.s32 $0x10, s3;
	v21 =	vmax.f32 v21, $0.0e+00;
	v14 =	vadd.f32 v26, v8;
	v23 =	vmax.f32 v23, $0.0e+00;
	v26 =	vld [tilespmem:s5+$0x0];
	v27 =	vmovc v18  }
.Ltmp15:
0xac: {  	_ = 	snop;
	(pc) =	sbr.rel .LBB2_19-.Ltmp15, $2  }
0xad: {  	_ =	sdelay $0x2  }
0xae: {  	v18 =	vmov v27;
	v19 =	vmov v26  }
.LBB2_10:
.Ltmp16:
0xaf: {  	(pc) =	sbr.rel .LBB2_19-.Ltmp16, $2  }
0xb0: {  	_ =	sdelay $0x2  }
0xb1: {  	v17 =	vimm.f32 $0.0e+00  }
.LBB2_12:
.Ltmp17:
0xb2: {  	_ = 	snop;
	(pc) =	sbr.rel .LBB2_19-.Ltmp17, $2  }
0xb3: {  	_ =	sdelay $0x2  }
0xb4: {  	v13 =	vmovc v11;
	v17 =	vimm.f32 $0.0e+00;
	v18 =	vmov v15;
	v19 =	vmov v26  }
.LBB2_14:
.Ltmp18:
0xb5: {  	(pc) =	sbr.rel .LBB2_19-.Ltmp18, $2  }
0xb6: {  	_ =	sdelay $0x2  }
0xb7: {  	v16 =	vmovc v15;
	v17 =	vimm.f32 $0.0e+00;
	v25 =	vmov v11;
	v13 =	vmov v12  }
.LBB2_16:
.Ltmp19:
0xb8: {  	_ = 	snop;
	(pc) =	sbr.rel .LBB2_19-.Ltmp19, $2  }
0xb9: {  	_ =	sdelay $0x2  }
0xba: {  	v17 =	vimm.f32 $0.0e+00;
	v18 =	vmovc v27;
	v25 =	vmov v12;
	v19 =	vmov v26  }
.LBB2_23:
0xbb: {  	_ =	sfence.sel $0x180000  }
0xbc: {  	[bflag:$0x0] =	sbarrier.arrive $0xFFFF  }
0xbd: {  	_ =	strace $0x90000047  }
0xbe: {  	s0 =	stileid.u32;
	[bflag:$0x2] =	sbarrier.arrive $0xFFFF  }
0xbf: {  	p0 =	sne.s32 s0, $0x0;
	s0 =	rddreg [dreg:$0x3]  }
0xc0: {  	s0 =	sadd.s32 @!p0 $0x100000, s0  }
0xc1: {  	[sflag:s0] =	ssyncadd.tile.s32 @!p0 $0x1;
	_ =	shalt  }
.Lfunc_end2:
_tile_overlayer_lowered:
.L_overlay_start_2:
0xc2: {  	(tag) =	ssettag $0x2  }
0xc3: {  	s0 =	rddreg [dreg:$0x0];
	s2 =	stileid.u32  }
0xc4: {  	s1 =	rddreg [dreg:$0x1];
	p0 =	sne.s32 s2, $0x0  }
0xc5: {  	s3 =	rddreg [dreg:$0x2];
	[bflag:$0x3] =	sbarrier.arrive $0xFFFF;
	s2 =	simm.s32 @!p0 $0x1C01  }
0xc6: {  	[timem:s3], [sflag:s2] =	dma.local @!p0 [hbm:s0], s1  }
0xc7: {  	s0 =	simm.s32 @!p0 $0x1  }
0xc8: {  	_ =	swait.ge @!p0 [sflag:s0], s1  }
0xc9: {  	s1 =	ssub.s32 @!p0 $0x0, s1;
	[sflag:s0] =	ssyncset.done @!p0 $0x0  }
0xca: {  	[sflag:s0] =	ssyncadd.s32 @!p0 s1  }
0xcb: {  	[bflag:$0x3] =	sbarrier.arrive $0xFFFF  }
0xcc: {  	_ =	shalt  }

</sc_bundles>
